<compile_context>
chip_gen: v7x
topology: tpu7x:2x2x1
jax: 0.10.2.dev20260603
libtpu: 0.0.44.dev20260713+nightly
codegen_flags: <defaults>
</compile_context>

<pallas_src>
import functools

import jax
import jax.numpy as jnp
from jax import lax
from jax.experimental import pallas as pl
from jax.experimental.pallas import tpu as pltpu
from jax.experimental.pallas import tpu_sc as plsc

_N = 4096
_L = 16
_NB = _N // _L
_K = 20
_UA = 2
_UC = 2
_LN2 = 0.6931471805599453


def _vln(x):
    bits = plsc.bitcast(x, jnp.int32)
    e = jnp.right_shift(bits, 23) - 127
    mbits = jnp.bitwise_or(jnp.bitwise_and(bits, 0x7FFFFF), 0x3F800000)
    m = plsc.bitcast(mbits, jnp.float32)
    t = (m - 1.0) / (m + 1.0)
    t2 = t * t
    poly = 1.0 / 11.0
    poly = poly * t2 + 1.0 / 9.0
    poly = poly * t2 + 1.0 / 7.0
    poly = poly * t2 + 1.0 / 5.0
    poly = poly * t2 + 1.0 / 3.0
    poly = poly * t2 + 1.0
    return e.astype(jnp.float32) * _LN2 + 2.0 * t * poly


def _bf16r(x):
    bits = plsc.bitcast(x, jnp.int32)
    lsb = jnp.bitwise_and(jnp.right_shift(bits, 16), 1)
    rounded = jnp.bitwise_and(bits + 0x7FFF + lsb, jnp.int32(-0x10000))
    return plsc.bitcast(rounded, jnp.float32)


def _xmax(v, lanes):
    for s in (1, 2, 4, 8):
        perm = jnp.bitwise_xor(lanes, s)
        v = jnp.maximum(v, v.at[perm].get(mode="promise_in_bounds"))
    return v


def _xmin(v, lanes):
    for s in (1, 2, 4, 8):
        perm = jnp.bitwise_xor(lanes, s)
        v = jnp.minimum(v, v.at[perm].get(mode="promise_in_bounds"))
    return v


_mesh = plsc.VectorSubcoreMesh(core_axis_name="c", subcore_axis_name="s",
                               num_cores=1, num_subcores=1)


@functools.partial(
    pl.kernel,
    out_type=jax.ShapeDtypeStruct((_L,), jnp.float32),
    mesh=_mesh,
    compiler_params=pltpu.CompilerParams(needs_layout_passes=False),
    scratch_types=[
        pltpu.VMEM((_N,), jnp.float32),
        pltpu.VMEM((_N + _L,), jnp.float32),
        pltpu.VMEM((_N,), jnp.float32),
        pltpu.VMEM((_N + _L,), jnp.int32),
        pltpu.VMEM((_L,), jnp.float32),
        pltpu.SemaphoreType.DMA,
        pltpu.SemaphoreType.DMA,
        pltpu.SemaphoreType.DMA,
    ],
)
def _sc_loss(mask_hbm, dir_hbm, w_hbm, out_hbm,
             m_v, d_v, w_v, i_c, o_v, sem_d, sem_m, sem_w):
    cid = lax.axis_index("c")
    sid = lax.axis_index("s")

    @pl.when(jnp.logical_and(cid == 0, sid == 0))
    def _work():
        cp_d = pltpu.async_copy(dir_hbm, d_v.at[pl.ds(0, _N)], sem_d)
        cp_m = pltpu.async_copy(mask_hbm, m_v, sem_m)
        cp_w = pltpu.async_copy(w_hbm, w_v, sem_w)
        lanes = lax.iota(jnp.int32, _L)
        cp_d.wait()

        def max_pass(bb, mx):
            for u in range(_UA):
                o = (bb * _UA + u) * _L
                mx = jnp.maximum(mx, jnp.abs(d_v[pl.ds(o, _L)]))
            return mx

        mlane = lax.fori_loop(0, _NB // _UA, max_pass,
                              jnp.zeros((_L,), jnp.float32))
        t0 = jnp.min(mlane)

        def compact(thr):
            def body(bb, off):
                for u in range(_UC):
                    o = (bb * _UC + u) * _L
                    a = jnp.abs(d_v[pl.ds(o, _L)])
                    pred = a > thr
                    plsc.store_compressed(i_c.at[pl.ds(off, _L)], o + lanes,
                                          mask=pred)
                    off = off + plsc.all_reduce_population_count(pred)[0]
                return off
            return lax.fori_loop(0, _NB // _UC, body, jnp.int32(0))

        def need_more(c):
            return c[1] < _K

        def refine(c):
            thr, _ = c
            thr = jnp.where(thr > 1e-30, thr * 0.5, jnp.float32(-1.0))
            return thr, compact(thr)

        _, cnt = lax.while_loop(need_more, refine,
                                (t0 * 2.0, jnp.int32(0)))
        i_c[pl.ds(cnt, _L)] = jnp.full((_L,), _N, jnp.int32)
        nbc = (cnt + _L - 1) // _L
        cp_m.wait()
        cp_w.wait()

        def pick(_, acc):
            def scan(b, carry):
                bv, bp = carry
                oi = i_c[pl.ds(b * _L, _L)]
                g = plsc.load_gather(d_v, [oi])
                a = jnp.where(oi >= _N, -2.0, jnp.abs(g))
                pred = a > bv
                bv = jnp.where(pred, a, bv)
                bp = jnp.where(pred, b * _L + lanes, bp)
                return bv, bp

            init = (jnp.full((_L,), -3.0, jnp.float32),
                    jnp.zeros((_L,), jnp.int32))
            bv, bp = lax.fori_loop(0, nbc, scan, init)
            mx = jnp.max(bv)
            pv = jnp.full((_L,), jnp.min(jnp.where(bv == mx, bp, jnp.int32(2**30))), jnp.int32)
            oi = plsc.load_gather(i_c, [pv])
            mg = plsc.load_gather(m_v, [oi])
            dg = plsc.load_gather(d_v, [oi])
            wg = plsc.load_gather(w_v, [oi])
            plsc.store_scatter(i_c, [pv], jnp.full((_L,), _N, jnp.int32))
            return acc + _bf16r(mg * dg) * _bf16r(wg)

        acc = lax.fori_loop(0, _K, pick, jnp.zeros((_L,), jnp.float32))
        xv = jnp.abs(acc) + 1e-8
        o_v[...] = -_vln(xv)
        pltpu.sync_copy(o_v, out_hbm)


def kernel(hidden, mask, direction, w):
    del hidden
    out = _sc_loss(mask, direction, w)
    return out[0]

# --- scband reference (transcript-rebuilt; emitter-appended) ---
"""Pipeline reference for scband-ablation-faithfulness-loss-39195871543990 (READ-ONLY COPY).

The authoritative reference and input builder live on the scoring server;
editing this copy changes nothing except your own understanding.
"""

import jax, jax.numpy as jnp
import numpy as np

ABLATION_RATIO = 0.2
TOP_K_FEATURES = 100


def setup_inputs(seed: int = 0) -> dict:
    key = jax.random.key(seed)
    k1, k2, k3, k4 = jax.random.split(key, 4)
    hidden = jax.random.normal(k1, (16384, 4096), dtype=jnp.float32)
    mask = jax.random.uniform(k2, (4096,), dtype=jnp.float32)
    direction = jax.random.normal(k3, (4096,), dtype=jnp.float32)
    w = jax.random.normal(k4, (4096,), dtype=jnp.float32)
    return {"hidden": hidden, "mask": mask, "direction": direction, "w": w}


def reference(hidden, mask, direction, w):
    # --- baseline (no_grad in torch) ---
    # editor: edited = hidden + mask * direction (single-layer mechanistic editor)
    edited_original = hidden + mask * direction
    # value_head.predict_delta_v: delta_v = (edited - hidden) @ w, per token
    delta_v_original = jax.lax.stop_gradient((edited_original - hidden) @ w)

    # --- ablate top-influence features ---
    abs_dir = jnp.abs(direction)
    k = min(TOP_K_FEATURES, abs_dir.shape[0])
    _, topk_indices = jax.lax.top_k(abs_dir, k)
    num_ablate = int(k * ABLATION_RATIO)
    ablate_indices = topk_indices[:num_ablate]
    ablated_mask = mask.at[ablate_indices].set(0.0)

    # --- ablated forward ---
    edited_ablated = hidden + ablated_mask * direction
    delta_v_ablated = (edited_ablated - hidden) @ w

    delta_change = jnp.abs(delta_v_ablated - delta_v_original)
    faithfulness_loss = -jnp.log(delta_change + 1e-08).mean()
    return faithfulness_loss

if __name__ == "__main__":
    import jax
    _d = setup_inputs()
    print(jax.jit(kernel)(*tuple(_d.values())))

</pallas_src>

<mosaic_0001>
#map = affine_map<(d0, d1) -> (0)>
module attributes {stable_mosaic.version = 14 : i64} {
  func.func @_sc_loss(%arg0: i32, %arg1: i32, %arg2: memref<4096xf32, #tpu.memory_space<hbm>>, %arg3: memref<4096xf32, #tpu.memory_space<hbm>>, %arg4: memref<4096xf32, #tpu.memory_space<hbm>>, %arg5: memref<16xf32, #tpu.memory_space<hbm>>, %arg6: memref<4096xf32, #tpu.memory_space<vmem>>, %arg7: memref<4112xf32, #tpu.memory_space<vmem>>, %arg8: memref<4096xf32, #tpu.memory_space<vmem>>, %arg9: memref<4112xi32, #tpu.memory_space<vmem>>, %arg10: memref<16xf32, #tpu.memory_space<vmem>>, %arg11: memref<!tpu.dma_semaphore, #tpu.memory_space<semaphore_mem>>, %arg12: memref<!tpu.dma_semaphore, #tpu.memory_space<semaphore_mem>>, %arg13: memref<!tpu.dma_semaphore, #tpu.memory_space<semaphore_mem>>) attributes {dimension_semantics = [#tpu.dimension_semantics<core_parallel>, #tpu.dimension_semantics<subcore_parallel>], iteration_bounds = array<i64: 1, 1>, scalar_prefetch = 0 : i64, scratch_operands = 8 : i64, tpu.core_type = #tpu.core_type<sc_vector_subcore>, window_params = [{transform_indices = #map}, {transform_indices = #map}, {transform_indices = #map}, {transform_indices = #map}]} {
    %eq3A = arith.constant 0 : i32
    %eq3A_0 = arith.cmpi eq, %arg0, %eq3A : i32
    %eq3A_1 = arith.constant 0 : i32
    %eq3A_2 = arith.cmpi eq, %arg1, %eq3A_1 : i32
    %and3A = arith.andi %eq3A_0, %eq3A_2 : i1
    %convert_element_type3A = arith.extui %and3A : i1 to i32
    %cond3A = arith.constant 0 : i32
    %cond3A_3 = arith.cmpi ne, %convert_element_type3A, %cond3A : i32
    scf.if %cond3A_3 {
      %dma_start3A = arith.constant 0 : i32
      %dma_start3A_4 = tpu.memref_slice %arg7[%dma_start3A] : memref<4112xf32, #tpu.memory_space<vmem>> -> memref<4096xf32, #tpu.memory_space<vmem>>
      %dma_start3A_5 = arith.constant 0 : i32
      %dma_start3A_6 = tpu.memref_slice %arg7[%dma_start3A_5] : memref<4112xf32, #tpu.memory_space<vmem>> -> memref<4096xf32, #tpu.memory_space<vmem>>
      tpu.enqueue_dma source(%arg3 : memref<4096xf32, #tpu.memory_space<hbm>>) target(%dma_start3A_6 : memref<4096xf32, #tpu.memory_space<vmem>>) target_semaphore(%arg11 : memref<!tpu.dma_semaphore, #tpu.memory_space<semaphore_mem>>)
      tpu.enqueue_dma source(%arg2 : memref<4096xf32, #tpu.memory_space<hbm>>) target(%arg6 : memref<4096xf32, #tpu.memory_space<vmem>>) target_semaphore(%arg12 : memref<!tpu.dma_semaphore, #tpu.memory_space<semaphore_mem>>)
      tpu.enqueue_dma source(%arg4 : memref<4096xf32, #tpu.memory_space<hbm>>) target(%arg8 : memref<4096xf32, #tpu.memory_space<vmem>>) target_semaphore(%arg13 : memref<!tpu.dma_semaphore, #tpu.memory_space<semaphore_mem>>)
      %iota3A = tpu.iota {dimensions = array<i32: 0>} : vector<16xi32>
      %dma_wait3A = arith.constant 0 : i32
      %dma_wait3A_7 = tpu.memref_slice %arg7[%dma_wait3A] : memref<4112xf32, #tpu.memory_space<vmem>> -> memref<4096xf32, #tpu.memory_space<vmem>>
      %dma_wait3A_8 = arith.constant 0 : i32
      %dma_wait3A_9 = tpu.memref_slice %arg7[%dma_wait3A_8] : memref<4112xf32, #tpu.memory_space<vmem>> -> memref<4096xf32, #tpu.memory_space<vmem>>
      tpu.wait_dma2 semaphore(%arg11 : memref<!tpu.dma_semaphore, #tpu.memory_space<semaphore_mem>>) src(%arg3 : memref<4096xf32, #tpu.memory_space<hbm>>) dst(%dma_wait3A_9 : memref<4096xf32, #tpu.memory_space<vmem>>)
      %broadcast_in_dim3A = arith.constant 0.000000e+00 : f32
      %broadcast_in_dim3A_10 = vector.broadcast %broadcast_in_dim3A : f32 to vector<16xf32>
      %scan3A = arith.constant 0 : i32
      %scan3A_11 = arith.constant 128 : i32
      %scan3A_12 = arith.addi %scan3A, %scan3A_11 : i32
      %scan3A_13 = arith.constant 1 : i32
      %scan3A_14 = scf.for %scan3A_109 = %scan3A to %scan3A_12 step %scan3A_13 iter_args(%scan3A_110 = %broadcast_in_dim3A_10) -> (vector<16xf32>)  : i32 {
        %mul3A_111 = arith.constant 2 : i32
        %mul3A_112 = arith.muli %scan3A_109, %mul3A_111 : i32
        %add3A_113 = arith.constant 0 : i32
        %add3A_114 = arith.addi %mul3A_112, %add3A_113 : i32
        %mul3A_115 = arith.constant 16 : i32
        %mul3A_116 = arith.muli %add3A_114, %mul3A_115 : i32
        %get3A = arith.index_cast %mul3A_116 : i32 to index
        %get3A_117 = tpu.vector_load %arg7[%get3A] {strides = array<i32>} : memref<4112xf32, #tpu.memory_space<vmem>>, vector<16xf32>,
        %abs3A_118 = math.absf %get3A_117 : vector<16xf32>
        %max3A = arith.maximumf %scan3A_110, %abs3A_118 : vector<16xf32>
        %mul3A_119 = arith.constant 2 : i32
        %mul3A_120 = arith.muli %scan3A_109, %mul3A_119 : i32
        %add3A_121 = arith.constant 1 : i32
        %add3A_122 = arith.addi %mul3A_120, %add3A_121 : i32
        %mul3A_123 = arith.constant 16 : i32
        %mul3A_124 = arith.muli %add3A_122, %mul3A_123 : i32
        %get3A_125 = arith.index_cast %mul3A_124 : i32 to index
        %get3A_126 = tpu.vector_load %arg7[%get3A_125] {strides = array<i32>} : memref<4112xf32, #tpu.memory_space<vmem>>, vector<16xf32>,
        %abs3A_127 = math.absf %get3A_126 : vector<16xf32>
        %max3A_128 = arith.maximumf %max3A, %abs3A_127 : vector<16xf32>
        scf.yield %max3A_128 : vector<16xf32>
      }
      %scan3A_15 = arith.constant 128 : i32
      %reduce_min3A = arith.constant true
      %reduce_min3A_16 = vector.broadcast %reduce_min3A : i1 to vector<16xi1>
      %reduce_min3A_17 = tpu.scan <min>, %scan3A_14 masked %reduce_min3A_16 : vector<16xf32>, vector<16xi1> -> vector<16xf32>
      %reduce_min3A_18 = vector.extract %reduce_min3A_17[15] : f32 from vector<16xf32>
      %mul3A = arith.constant 2.000000e+00 : f32
      %mul3A_19 = arith.mulf %reduce_min3A_18, %mul3A : f32
      %while3A = arith.constant 0 : i32
      %while3A_20:2 = scf.while (%while3A_109 = %mul3A_19, %while3A_110 = %while3A) : (f32, i32) -> (f32, i32) {
        %lt3A = arith.constant 20 : i32
        %lt3A_111 = arith.cmpi slt, %while3A_110, %lt3A : i32
        scf.condition(%lt3A_111) %while3A_109, %while3A_110 : f32, i32
      } do {
      ^bb0(%while3A_109: f32, %while3A_110: i32):
        %gt3A = arith.constant 1.000000e-30 : f32
        %gt3A_111 = arith.cmpf ogt, %while3A_109, %gt3A : f32
        %mul3A_112 = arith.constant 5.000000e-01 : f32
        %mul3A_113 = arith.mulf %while3A_109, %mul3A_112 : f32
        %jit3A_114 = arith.constant -1.000000e+00 : f32
        %select_n3A_115 = arith.select %gt3A_111, %mul3A_113, %jit3A_114 : f32
        %scan3A_116 = arith.constant 0 : i32
        %scan3A_117 = arith.constant 0 : i32
        %scan3A_118 = arith.constant 128 : i32
        %scan3A_119 = arith.addi %scan3A_117, %scan3A_118 : i32
        %scan3A_120 = arith.constant 1 : i32
        %scan3A_121 = scf.for %scan3A_123 = %scan3A_117 to %scan3A_119 step %scan3A_120 iter_args(%scan3A_124 = %scan3A_116) -> (i32)  : i32 {
          %mul3A_125 = arith.constant 2 : i32
          %mul3A_126 = arith.muli %scan3A_123, %mul3A_125 : i32
          %add3A_127 = arith.constant 0 : i32
          %add3A_128 = arith.addi %mul3A_126, %add3A_127 : i32
          %mul3A_129 = arith.constant 16 : i32
          %mul3A_130 = arith.muli %add3A_128, %mul3A_129 : i32
          %get3A = arith.index_cast %mul3A_130 : i32 to index
          %get3A_131 = tpu.vector_load %arg7[%get3A] {strides = array<i32>} : memref<4112xf32, #tpu.memory_space<vmem>>, vector<16xf32>,
          %abs3A_132 = math.absf %get3A_131 : vector<16xf32>
          %gt3A_133 = vector.broadcast %select_n3A_115 : f32 to vector<16xf32>
          %gt3A_134 = arith.cmpf ogt, %abs3A_132, %gt3A_133 : vector<16xf32>
          %add3A_135 = vector.broadcast %mul3A_130 : i32 to vector<16xi32>
          %add3A_136 = arith.addi %add3A_135, %iota3A : vector<16xi32>
          %swap3A_137 = arith.index_cast %scan3A_124 : i32 to index
          %swap3A_138 = tpu.vector_load %arg9[%swap3A_137] masked %gt3A_134 {strides = array<i32>} : memref<4112xi32, #tpu.memory_space<vmem>>, vector<16xi32>, vector<16xi1>
          tpu.vector_store %arg9[%swap3A_137], %add3A_136 masked %gt3A_134 {strides = array<i32>} : memref<4112xi32, #tpu.memory_space<vmem>>, vector<16xi32>, vector<16xi1>
          %all_reduce_population_count3A = tpu.all_reduce %gt3A_134 {dim = 0 : i64, kind = #tpu.reduction_kind<sum>} : vector<16xi1> -> vector<16xi32>
          %slice3A = vector.extract_strided_slice %all_reduce_population_count3A {offsets = [0], sizes = [1], strides = [1]} : vector<16xi32> to vector<1xi32>
          %squeeze3A = vector.extract %slice3A[0] : i32 from vector<1xi32>
          %add3A_139 = arith.addi %scan3A_124, %squeeze3A : i32
          %mul3A_140 = arith.constant 2 : i32
          %mul3A_141 = arith.muli %scan3A_123, %mul3A_140 : i32
          %add3A_142 = arith.constant 1 : i32
          %add3A_143 = arith.addi %mul3A_141, %add3A_142 : i32
          %mul3A_144 = arith.constant 16 : i32
          %mul3A_145 = arith.muli %add3A_143, %mul3A_144 : i32
          %get3A_146 = arith.index_cast %mul3A_145 : i32 to index
          %get3A_147 = tpu.vector_load %arg7[%get3A_146] {strides = array<i32>} : memref<4112xf32, #tpu.memory_space<vmem>>, vector<16xf32>,
          %abs3A_148 = math.absf %get3A_147 : vector<16xf32>
          %gt3A_149 = vector.broadcast %select_n3A_115 : f32 to vector<16xf32>
          %gt3A_150 = arith.cmpf ogt, %abs3A_148, %gt3A_149 : vector<16xf32>
          %add3A_151 = vector.broadcast %mul3A_145 : i32 to vector<16xi32>
          %add3A_152 = arith.addi %add3A_151, %iota3A : vector<16xi32>
          %swap3A_153 = arith.index_cast %add3A_139 : i32 to index
          %swap3A_154 = tpu.vector_load %arg9[%swap3A_153] masked %gt3A_150 {strides = array<i32>} : memref<4112xi32, #tpu.memory_space<vmem>>, vector<16xi32>, vector<16xi1>
          tpu.vector_store %arg9[%swap3A_153], %add3A_152 masked %gt3A_150 {strides = array<i32>} : memref<4112xi32, #tpu.memory_space<vmem>>, vector<16xi32>, vector<16xi1>
          %all_reduce_population_count3A_155 = tpu.all_reduce %gt3A_150 {dim = 0 : i64, kind = #tpu.reduction_kind<sum>} : vector<16xi1> -> vector<16xi32>
          %slice3A_156 = vector.extract_strided_slice %all_reduce_population_count3A_155 {offsets = [0], sizes = [1], strides = [1]} : vector<16xi32> to vector<1xi32>
          %squeeze3A_157 = vector.extract %slice3A_156[0] : i32 from vector<1xi32>
          %add3A_158 = arith.addi %add3A_139, %squeeze3A_157 : i32
          scf.yield %add3A_158 : i32
        }
        %scan3A_122 = arith.constant 128 : i32
        scf.yield %select_n3A_115, %scan3A_121 : f32, i32
      }
      %broadcast_in_dim3A_21 = arith.constant 4096 : i32
      %broadcast_in_dim3A_22 = vector.broadcast %broadcast_in_dim3A_21 : i32 to vector<16xi32>
      %swap3A = arith.index_cast %while3A_20#1 : i32 to index
      %swap3A_23 = tpu.vector_load %arg9[%swap3A] {strides = array<i32>} : memref<4112xi32, #tpu.memory_space<vmem>>, vector<16xi32>,
      tpu.vector_store %arg9[%swap3A], %broadcast_in_dim3A_22 {strides = array<i32>} : memref<4112xi32, #tpu.memory_space<vmem>>, vector<16xi32>,
      %add3A = arith.constant 16 : i32
      %add3A_24 = arith.addi %while3A_20#1, %add3A : i32
      %sub3A = arith.constant 1 : i32
      %sub3A_25 = arith.subi %add3A_24, %sub3A : i32
      %jit3A = arith.constant 16 : i32
      %div3A = arith.divsi %sub3A_25, %jit3A : i32
      %sign3A = arith.constant 0 : i32
      %sign3A_26 = arith.cmpi sgt, %sub3A_25, %sign3A : i32
      %sign3A_27 = arith.extui %sign3A_26 : i1 to i32
      %sign3A_28 = arith.constant 0 : i32
      %sign3A_29 = arith.cmpi slt, %sub3A_25, %sign3A_28 : i32
      %sign3A_30 = arith.extui %sign3A_29 : i1 to i32
      %sign3A_31 = arith.subi %sign3A_27, %sign3A_30 : i32
      %sign3A_32 = arith.constant 0 : i32
      %sign3A_33 = arith.cmpi sgt, %jit3A, %sign3A_32 : i32
      %sign3A_34 = arith.extui %sign3A_33 : i1 to i32
      %sign3A_35 = arith.constant 0 : i32
      %sign3A_36 = arith.cmpi slt, %jit3A, %sign3A_35 : i32
      %sign3A_37 = arith.extui %sign3A_36 : i1 to i32
      %sign3A_38 = arith.subi %sign3A_34, %sign3A_37 : i32
      %ne3A = arith.cmpi ne, %sign3A_31, %sign3A_38 : i32
      %rem3A = arith.remsi %sub3A_25, %jit3A : i32
      %ne3A_39 = arith.constant 0 : i32
      %ne3A_40 = arith.cmpi ne, %rem3A, %ne3A_39 : i32
      %and3A_41 = arith.andi %ne3A, %ne3A_40 : i1
      %sub3A_42 = arith.constant 1 : i32
      %sub3A_43 = arith.subi %div3A, %sub3A_42 : i32
      %select_n3A = arith.select %and3A_41, %sub3A_43, %div3A : i32
      tpu.wait_dma2 semaphore(%arg12 : memref<!tpu.dma_semaphore, #tpu.memory_space<semaphore_mem>>) src(%arg2 : memref<4096xf32, #tpu.memory_space<hbm>>) dst(%arg6 : memref<4096xf32, #tpu.memory_space<vmem>>)
      tpu.wait_dma2 semaphore(%arg13 : memref<!tpu.dma_semaphore, #tpu.memory_space<semaphore_mem>>) src(%arg4 : memref<4096xf32, #tpu.memory_space<hbm>>) dst(%arg8 : memref<4096xf32, #tpu.memory_space<vmem>>)
      %broadcast_in_dim3A_44 = arith.constant 0.000000e+00 : f32
      %broadcast_in_dim3A_45 = vector.broadcast %broadcast_in_dim3A_44 : f32 to vector<16xf32>
      %scan3A_46 = arith.constant 0 : i32
      %scan3A_47 = arith.constant 20 : i32
      %scan3A_48 = arith.addi %scan3A_46, %scan3A_47 : i32
      %scan3A_49 = arith.constant 1 : i32
      %scan3A_50 = scf.for %scan3A_109 = %scan3A_46 to %scan3A_48 step %scan3A_49 iter_args(%scan3A_110 = %broadcast_in_dim3A_45) -> (vector<16xf32>)  : i32 {
        %broadcast_in_dim3A_111 = arith.constant -3.000000e+00 : f32
        %broadcast_in_dim3A_112 = vector.broadcast %broadcast_in_dim3A_111 : f32 to vector<16xf32>
        %broadcast_in_dim3A_113 = arith.constant 0 : i32
        %broadcast_in_dim3A_114 = vector.broadcast %broadcast_in_dim3A_113 : i32 to vector<16xi32>
        %while3A_115 = arith.constant 0 : i32
        %while3A_116 = arith.subi %select_n3A, %while3A_115 : i32
        %while3A_117 = arith.addi %while3A_115, %while3A_116 : i32
        %while3A_118 = arith.constant 1 : i32
        %while3A_119 = arith.divsi %while3A_116, %while3A_118 : i32
        %while3A_120 = arith.muli %while3A_119, %while3A_118 : i32
        %while3A_121 = arith.addi %while3A_115, %while3A_120 : i32
        %while3A_122 = arith.constant 1 : i32
        %while3A_123:2 = scf.for %while3A_181 = %while3A_115 to %while3A_121 step %while3A_122 iter_args(%while3A_182 = %broadcast_in_dim3A_112, %while3A_183 = %broadcast_in_dim3A_114) -> (vector<16xf32>, vector<16xi32>)  : i32 {
          %mul3A_184 = arith.constant 16 : i32
          %mul3A_185 = arith.muli %while3A_181, %mul3A_184 : i32
          %get3A = arith.index_cast %mul3A_185 : i32 to index
          %get3A_186 = tpu.vector_load %arg9[%get3A] {strides = array<i32>} : memref<4112xi32, #tpu.memory_space<vmem>>, vector<16xi32>,
          %gather3A_187 = tpu.vector_load_idx %arg7[%get3A_186] : memref<4112xf32, #tpu.memory_space<vmem>>[vector<16xi32>], vector<16xf32>,
          %ge3A = arith.constant 4096 : i32
          %ge3A_188 = vector.broadcast %ge3A : i32 to vector<16xi32>
          %ge3A_189 = arith.cmpi sge, %get3A_186, %ge3A_188 : vector<16xi32>
          %abs3A_190 = math.absf %gather3A_187 : vector<16xf32>
          %jit3A_191 = arith.constant -2.000000e+00 : f32
          %broadcast_in_dim3A_192 = vector.broadcast %jit3A_191 : f32 to vector<16xf32>
          %select_n3A_193 = arith.select %ge3A_189, %broadcast_in_dim3A_192, %abs3A_190 : vector<16xi1>, vector<16xf32>
          %gt3A = arith.cmpf ogt, %select_n3A_193, %while3A_182 : vector<16xf32>
          %select_n3A_194 = arith.select %gt3A, %select_n3A_193, %while3A_182 : vector<16xi1>, vector<16xf32>
          %mul3A_195 = arith.constant 16 : i32
          %mul3A_196 = arith.muli %while3A_181, %mul3A_195 : i32
          %add3A_197 = vector.broadcast %mul3A_196 : i32 to vector<16xi32>
          %add3A_198 = arith.addi %add3A_197, %iota3A : vector<16xi32>
          %select_n3A_199 = arith.select %gt3A, %add3A_198, %while3A_183 : vector<16xi1>, vector<16xi32>
          scf.yield %select_n3A_194, %select_n3A_199 : vector<16xf32>, vector<16xi32>
        }
        %while3A_124 = arith.constant 1 : i32
        %while3A_125:2 = scf.for %while3A_181 = %while3A_121 to %while3A_117 step %while3A_124 iter_args(%while3A_182 = %while3A_123#0, %while3A_183 = %while3A_123#1) -> (vector<16xf32>, vector<16xi32>)  : i32 {
          %mul3A_184 = arith.constant 16 : i32
          %mul3A_185 = arith.muli %while3A_181, %mul3A_184 : i32
          %get3A = arith.index_cast %mul3A_185 : i32 to index
          %get3A_186 = tpu.vector_load %arg9[%get3A] {strides = array<i32>} : memref<4112xi32, #tpu.memory_space<vmem>>, vector<16xi32>,
          %gather3A_187 = tpu.vector_load_idx %arg7[%get3A_186] : memref<4112xf32, #tpu.memory_space<vmem>>[vector<16xi32>], vector<16xf32>,
          %ge3A = arith.constant 4096 : i32
          %ge3A_188 = vector.broadcast %ge3A : i32 to vector<16xi32>
          %ge3A_189 = arith.cmpi sge, %get3A_186, %ge3A_188 : vector<16xi32>
          %abs3A_190 = math.absf %gather3A_187 : vector<16xf32>
          %jit3A_191 = arith.constant -2.000000e+00 : f32
          %broadcast_in_dim3A_192 = vector.broadcast %jit3A_191 : f32 to vector<16xf32>
          %select_n3A_193 = arith.select %ge3A_189, %broadcast_in_dim3A_192, %abs3A_190 : vector<16xi1>, vector<16xf32>
          %gt3A = arith.cmpf ogt, %select_n3A_193, %while3A_182 : vector<16xf32>
          %select_n3A_194 = arith.select %gt3A, %select_n3A_193, %while3A_182 : vector<16xi1>, vector<16xf32>
          %mul3A_195 = arith.constant 16 : i32
          %mul3A_196 = arith.muli %while3A_181, %mul3A_195 : i32
          %add3A_197 = vector.broadcast %mul3A_196 : i32 to vector<16xi32>
          %add3A_198 = arith.addi %add3A_197, %iota3A : vector<16xi32>
          %select_n3A_199 = arith.select %gt3A, %add3A_198, %while3A_183 : vector<16xi1>, vector<16xi32>
          scf.yield %select_n3A_194, %select_n3A_199 : vector<16xf32>, vector<16xi32>
        }
        %reduce_max3A = arith.constant true
        %reduce_max3A_126 = vector.broadcast %reduce_max3A : i1 to vector<16xi1>
        %reduce_max3A_127 = tpu.scan <max>, %while3A_125#0 masked %reduce_max3A_126 : vector<16xf32>, vector<16xi1> -> vector<16xf32>
        %reduce_max3A_128 = vector.extract %reduce_max3A_127[15] : f32 from vector<16xf32>
        %eq3A_129 = vector.broadcast %reduce_max3A_128 : f32 to vector<16xf32>
        %eq3A_130 = arith.cmpf oeq, %while3A_125#0, %eq3A_129 : vector<16xf32>
        %jit3A_131 = arith.constant 1073741824 : i32
        %broadcast_in_dim3A_132 = vector.broadcast %jit3A_131 : i32 to vector<16xi32>
        %select_n3A_133 = arith.select %eq3A_130, %while3A_125#1, %broadcast_in_dim3A_132 : vector<16xi1>, vector<16xi32>
        %reduce_min3A_134 = arith.constant true
        %reduce_min3A_135 = vector.broadcast %reduce_min3A_134 : i1 to vector<16xi1>
        %reduce_min3A_136 = arith.constant -2147483648 : i32
        %reduce_min3A_137 = vector.broadcast %reduce_min3A_136 : i32 to vector<16xi32>
        %reduce_min3A_138 = arith.xori %select_n3A_133, %reduce_min3A_137 : vector<16xi32>
        %reduce_min3A_139 = tpu.scan <min>, %reduce_min3A_138 masked %reduce_min3A_135 : vector<16xi32>, vector<16xi1> -> vector<16xi32>
        %reduce_min3A_140 = arith.xori %reduce_min3A_139, %reduce_min3A_137 : vector<16xi32>
        %reduce_min3A_141 = vector.extract %reduce_min3A_140[15] : i32 from vector<16xi32>
        %broadcast_in_dim3A_142 = vector.broadcast %reduce_min3A_141 : i32 to vector<16xi32>
        %gather3A = tpu.vector_load_idx %arg9[%broadcast_in_dim3A_142] : memref<4112xi32, #tpu.memory_space<vmem>>[vector<16xi32>], vector<16xi32>,
        %gather3A_143 = tpu.vector_load_idx %arg6[%gather3A] : memref<4096xf32, #tpu.memory_space<vmem>>[vector<16xi32>], vector<16xf32>,
        %gather3A_144 = tpu.vector_load_idx %arg7[%gather3A] : memref<4112xf32, #tpu.memory_space<vmem>>[vector<16xi32>], vector<16xf32>,
        %gather3A_145 = tpu.vector_load_idx %arg8[%gather3A] : memref<4096xf32, #tpu.memory_space<vmem>>[vector<16xi32>], vector<16xf32>,
        %broadcast_in_dim3A_146 = arith.constant 4096 : i32
        %broadcast_in_dim3A_147 = vector.broadcast %broadcast_in_dim3A_146 : i32 to vector<16xi32>
        tpu.vector_store_idx %arg9[%broadcast_in_dim3A_142], %broadcast_in_dim3A_147 : memref<4112xi32, #tpu.memory_space<vmem>>[vector<16xi32>], vector<16xi32>,
        %mul3A_148 = arith.mulf %gather3A_143, %gather3A_144 : vector<16xf32>
        %bitcast3A_149 = vector.bitcast %mul3A_148 : vector<16xf32> to vector<16xi32>
        %shift_right_arithmetic3A_150 = arith.constant 16 : i32
        %shift_right_arithmetic3A_151 = vector.broadcast %shift_right_arithmetic3A_150 : i32 to vector<16xi32>
        %shift_right_arithmetic3A_152 = arith.shrsi %bitcast3A_149, %shift_right_arithmetic3A_151 : vector<16xi32>
        %and3A_153 = arith.constant 1 : i32
        %and3A_154 = vector.broadcast %and3A_153 : i32 to vector<16xi32>
        %and3A_155 = arith.andi %shift_right_arithmetic3A_152, %and3A_154 : vector<16xi32>
        %add3A_156 = arith.constant 32767 : i32
        %add3A_157 = vector.broadcast %add3A_156 : i32 to vector<16xi32>
        %add3A_158 = arith.addi %bitcast3A_149, %add3A_157 : vector<16xi32>
        %add3A_159 = arith.addi %add3A_158, %and3A_155 : vector<16xi32>
        %and3A_160 = arith.constant -65536 : i32
        %and3A_161 = vector.broadcast %and3A_160 : i32 to vector<16xi32>
        %and3A_162 = arith.andi %add3A_159, %and3A_161 : vector<16xi32>
        %bitcast3A_163 = vector.bitcast %and3A_162 : vector<16xi32> to vector<16xf32>
        %bitcast3A_164 = vector.bitcast %gather3A_145 : vector<16xf32> to vector<16xi32>
        %shift_right_arithmetic3A_165 = arith.constant 16 : i32
        %shift_right_arithmetic3A_166 = vector.broadcast %shift_right_arithmetic3A_165 : i32 to vector<16xi32>
        %shift_right_arithmetic3A_167 = arith.shrsi %bitcast3A_164, %shift_right_arithmetic3A_166 : vector<16xi32>
        %and3A_168 = arith.constant 1 : i32
        %and3A_169 = vector.broadcast %and3A_168 : i32 to vector<16xi32>
        %and3A_170 = arith.andi %shift_right_arithmetic3A_167, %and3A_169 : vector<16xi32>
        %add3A_171 = arith.constant 32767 : i32
        %add3A_172 = vector.broadcast %add3A_171 : i32 to vector<16xi32>
        %add3A_173 = arith.addi %bitcast3A_164, %add3A_172 : vector<16xi32>
        %add3A_174 = arith.addi %add3A_173, %and3A_170 : vector<16xi32>
        %and3A_175 = arith.constant -65536 : i32
        %and3A_176 = vector.broadcast %and3A_175 : i32 to vector<16xi32>
        %and3A_177 = arith.andi %add3A_174, %and3A_176 : vector<16xi32>
        %bitcast3A_178 = vector.bitcast %and3A_177 : vector<16xi32> to vector<16xf32>
        %mul3A_179 = arith.mulf %bitcast3A_163, %bitcast3A_178 : vector<16xf32>
        %add3A_180 = arith.addf %scan3A_110, %mul3A_179 : vector<16xf32>
        scf.yield %add3A_180 : vector<16xf32>
      }
      %scan3A_51 = arith.constant 20 : i32
      %abs3A = math.absf %scan3A_50 : vector<16xf32>
      %add3A_52 = arith.constant 9.99999993E-9 : f32
      %add3A_53 = vector.broadcast %add3A_52 : f32 to vector<16xf32>
      %add3A_54 = arith.addf %abs3A, %add3A_53 : vector<16xf32>
      %bitcast3A = vector.bitcast %add3A_54 : vector<16xf32> to vector<16xi32>
      %shift_right_arithmetic3A = arith.constant 23 : i32
      %shift_right_arithmetic3A_55 = vector.broadcast %shift_right_arithmetic3A : i32 to vector<16xi32>
      %shift_right_arithmetic3A_56 = arith.shrsi %bitcast3A, %shift_right_arithmetic3A_55 : vector<16xi32>
      %sub3A_57 = arith.constant 127 : i32
      %sub3A_58 = vector.broadcast %sub3A_57 : i32 to vector<16xi32>
      %sub3A_59 = arith.subi %shift_right_arithmetic3A_56, %sub3A_58 : vector<16xi32>
      %and3A_60 = arith.constant 8388607 : i32
      %and3A_61 = vector.broadcast %and3A_60 : i32 to vector<16xi32>
      %and3A_62 = arith.andi %bitcast3A, %and3A_61 : vector<16xi32>
      %or3A = arith.constant 1065353216 : i32
      %or3A_63 = vector.broadcast %or3A : i32 to vector<16xi32>
      %or3A_64 = arith.ori %and3A_62, %or3A_63 : vector<16xi32>
      %bitcast3A_65 = vector.bitcast %or3A_64 : vector<16xi32> to vector<16xf32>
      %sub3A_66 = arith.constant 1.000000e+00 : f32
      %sub3A_67 = vector.broadcast %sub3A_66 : f32 to vector<16xf32>
      %sub3A_68 = arith.subf %bitcast3A_65, %sub3A_67 : vector<16xf32>
      %add3A_69 = arith.constant 1.000000e+00 : f32
      %add3A_70 = vector.broadcast %add3A_69 : f32 to vector<16xf32>
      %add3A_71 = arith.addf %bitcast3A_65, %add3A_70 : vector<16xf32>
      %div3A_72 = arith.divf %sub3A_68, %add3A_71 : vector<16xf32>
      %mul3A_73 = arith.mulf %div3A_72, %div3A_72 : vector<16xf32>
      %mul3A_74 = arith.constant 0.0909090936 : f32
      %mul3A_75 = vector.broadcast %mul3A_74 : f32 to vector<16xf32>
      %mul3A_76 = arith.mulf %mul3A_75, %mul3A_73 : vector<16xf32>
      %add3A_77 = arith.constant 0.111111112 : f32
      %add3A_78 = vector.broadcast %add3A_77 : f32 to vector<16xf32>
      %add3A_79 = arith.addf %mul3A_76, %add3A_78 : vector<16xf32>
      %mul3A_80 = arith.mulf %add3A_79, %mul3A_73 : vector<16xf32>
      %add3A_81 = arith.constant 0.142857149 : f32
      %add3A_82 = vector.broadcast %add3A_81 : f32 to vector<16xf32>
      %add3A_83 = arith.addf %mul3A_80, %add3A_82 : vector<16xf32>
      %mul3A_84 = arith.mulf %add3A_83, %mul3A_73 : vector<16xf32>
      %add3A_85 = arith.constant 2.000000e-01 : f32
      %add3A_86 = vector.broadcast %add3A_85 : f32 to vector<16xf32>
      %add3A_87 = arith.addf %mul3A_84, %add3A_86 : vector<16xf32>
      %mul3A_88 = arith.mulf %add3A_87, %mul3A_73 : vector<16xf32>
      %add3A_89 = arith.constant 0.333333343 : f32
      %add3A_90 = vector.broadcast %add3A_89 : f32 to vector<16xf32>
      %add3A_91 = arith.addf %mul3A_88, %add3A_90 : vector<16xf32>
      %mul3A_92 = arith.mulf %add3A_91, %mul3A_73 : vector<16xf32>
      %add3A_93 = arith.constant 1.000000e+00 : f32
      %add3A_94 = vector.broadcast %add3A_93 : f32 to vector<16xf32>
      %add3A_95 = arith.addf %mul3A_92, %add3A_94 : vector<16xf32>
      %convert_element_type3A_96 = arith.sitofp %sub3A_59 : vector<16xi32> to vector<16xf32>
      %mul3A_97 = arith.constant 0.693147182 : f32
      %mul3A_98 = vector.broadcast %mul3A_97 : f32 to vector<16xf32>
      %mul3A_99 = arith.mulf %convert_element_type3A_96, %mul3A_98 : vector<16xf32>
      %mul3A_100 = arith.constant 2.000000e+00 : f32
      %mul3A_101 = vector.broadcast %mul3A_100 : f32 to vector<16xf32>
      %mul3A_102 = arith.mulf %mul3A_101, %div3A_72 : vector<16xf32>
      %mul3A_103 = arith.mulf %mul3A_102, %add3A_95 : vector<16xf32>
      %add3A_104 = arith.addf %mul3A_99, %mul3A_103 : vector<16xf32>
      %neg3A = arith.constant 0.000000e+00 : f32
      %neg3A_105 = vector.broadcast %neg3A : f32 to vector<16xf32>
      %neg3A_106 = arith.subf %neg3A_105, %add3A_104 : vector<16xf32>
      %swap3A_107 = arith.constant 0 : index
      %swap3A_108 = tpu.vector_load %arg10[%swap3A_107] {strides = array<i32>} : memref<16xf32, #tpu.memory_space<vmem>>, vector<16xf32>,
      tpu.vector_store %arg10[%swap3A_107], %neg3A_106 {strides = array<i32>} : memref<16xf32, #tpu.memory_space<vmem>>, vector<16xf32>,
      "tpu.region"() ({
        %run_scoped3A = tpu.sem_alloc : memref<!tpu.dma_semaphore, #tpu.memory_space<semaphore_mem>>
        tpu.enqueue_dma source(%arg10 : memref<16xf32, #tpu.memory_space<vmem>>) target(%arg5 : memref<16xf32, #tpu.memory_space<hbm>>) target_semaphore(%run_scoped3A : memref<!tpu.dma_semaphore, #tpu.memory_space<semaphore_mem>>)
        tpu.wait_dma2 semaphore(%run_scoped3A : memref<!tpu.dma_semaphore, #tpu.memory_space<semaphore_mem>>) src(%arg10 : memref<16xf32, #tpu.memory_space<vmem>>) dst(%arg5 : memref<16xf32, #tpu.memory_space<hbm>>)
        tpu.yield
      }) : () -> ()
    } else {
    }
    return
  }
}

</mosaic_0001>

<sc_bundles>
// kernel: kernel.3.cloned.1.call-start
scs
__scs_entry_jumppad:
0x0: {  	(pc) =	sbr.rel $0x88, $3  }
0x1: {  	(tag) =	ssettag $0x0;
	lr =	simm.s32 $0x1  }
0x2: {  	[smem:$0x3F9E] =	sst lr;
	_ =	strace $0xD0000000  }
0x3: {  	_ = 	snop  }
0x4: {  	_ = 	snop  }
0x5: {  	_ = 	snop  }
0x6: {  	_ = 	snop  }
0x7: {  	_ = 	snop  }
__scs_overlays_trampoline_lowered:
0x8: {  	[smem:$0x3FAD] =	sst s0  }
0x9: {  	[smem:$0x3FAE] =	sst s1  }
0xa: {  	[smem:$0x3FAF] =	sst s2  }
0xb: {  	[smem:$0x3FB0] =	sst s3  }
0xc: {  	[smem:$0x3FB1] =	sst s4  }
0xd: {  	[smem:$0x3FB2] =	sst s5  }
0xe: {  	[smem:$0x3FB3] =	sst s6  }
0xf: {  	[smem:$0x3FB4] =	sst s7  }
0x10: {  	[smem:$0x3FB5] =	sst s8  }
0x11: {  	[smem:$0x3FB6] =	sst s9;
	s0 =	simm.s32 @!p0 $0x0  }
0x12: {  	s1 =	sld [smem:$0x3F9C];
	s0 =	simm.s32 @p0 $0x1  }
0x13: {  	[smem:$0x3FB7] =	sst s0;
	s0 =	simm.s32 @!p1 $0x0  }
0x14: {  	s2 =	sld [smem:$0x3F9B];
	s0 =	simm.s32 @p1 $0x1  }
0x15: {  	[smem:$0x3FB8] =	sst s0;
	s0 =	simm.s32 @!p2 $0x0  }
0x16: {  	s3 =	sld [smem:$0x3FDB];
	s0 =	simm.s32 @p2 $0x1  }
0x17: {  	s4 =	simm.s32 $0x1BF5;
	[smem:$0x3FBA] =	sst s0  }
0x18: {  	s0 =	sld [smem:$0x3F9D];
	_ =	swait.ge [sflag:s4], $0x0  }
0x19: {  	s7 =	sld [smem:$0x3F9E]  }
0x1a: {  	s8 =	sadd.s32 $0xFFFFE003, lr  }
0x1b: {  	s9 =	sadd.s32 $0xFFFFFEF7, lr;
	s5 =	simm.s32 $0xFFFFFFFF;
	p2 =	slt.u32 s8, $0xFFFFF086  }
0x1c: {  	p1 =	slt.u32 s9, $0xF7A;
	s5 =	simm.s32 @!p2 $0x0  }
0x1d: {  	s5 =	simm.s32 @p1 $0x1;
	p0 =	seq.s32 s7, s2  }
0x1e: {  	s7 =	smul.u32 @!p0 $0xF7A, s2;
	p2 =	seq.s32 @!p0 s5, $0x0  }
0x1f: {  	s9 =	smul.u32 $0xF7A, s1;
	s8 =	simm.s32 @!p0 $0x1BF5;
	p2 =	por !p2, p0  }
0x20: {  	[sflag:s8] =	ssyncset.s32 @!p0 $0xFFFFF086;
	s6 =	sadd.s32 @!p0 s3, s7;
	s7 =	simm.s32 @!p0 $0x108  }
0x21: {  	s3 =	sadd.s32 s3, s9;
	s6 =	sadd.s32 @!p0 $0x88, s6;
	s7 =	simm.s32 @p2 $0x1082  }
0x22: {  	[simem:s7], [sflag:s8] =	dma.local @!p0 [hbm:s6], $0xF7A  }
0x23: {  	s9 =	sor.u32 $0xD0000000, s2;
	s6 =	simm.s32 $0x108;
	_ =	swait.ge @!p0 [sflag:s8], $0x0  }
0x24: {  	s3 =	sadd.s32 $0x88, s3;
	s6 =	simm.s32 @!p1 $0x1082;
	[sflag:s4] =	ssyncset.s32 $0xFFFFF086  }
0x25: {  	[simem:s6], [sflag:s4] =	dma.local [hbm:s3], $0xF7A  }
0x26: {  	[smem:$0x3F9E] =	sst s1;
	(tag) =	ssettag s2;
	_ =	strace s9  }
0x27: {  	s1 =	sld [smem:$0x3FAE]  }
0x28: {  	s2 =	sld [smem:$0x3FAF]  }
0x29: {  	s4 =	sld [smem:$0x3FB1]  }
0x2a: {  	p0 =	seq.s32 s5, $0x0;
	s5 =	sld [smem:$0x3FB2]  }
0x2b: {  	s6 =	sld [smem:$0x3FB3]  }
0x2c: {  	s7 =	sld [smem:$0x3FB4]  }
0x2d: {  	s3 =	simm.s32 $0x108;
	s8 =	sld [smem:$0x3FB5]  }
0x2e: {  	s3 =	simm.s32 @!p0 $0x1082;
	s9 =	sld [smem:$0x3FB6]  }
0x2f: {  	lr =	sadd.s32 s0, s3;
	s0 =	sld [smem:$0x3FAD]  }
0x30: {  	s3 =	sld [smem:$0x3FB0]  }
0x31: {  	[smem:$0x3FB9] =	sst s10  }
0x32: {  	s10 =	sld [smem:$0x3FB7];
	_ =	sdelay $0x3  }
0x33: {  	p0 =	seq.s32 s10, $0x1;
	s10 =	sld [smem:$0x3FB9];
	_ =	sdelay $0x3  }
0x34: {  	[smem:$0x3FB9] =	sst s10  }
0x35: {  	s10 =	sld [smem:$0x3FB8];
	_ =	sdelay $0x3  }
0x36: {  	p1 =	seq.s32 s10, $0x1;
	s10 =	sld [smem:$0x3FB9];
	_ =	sdelay $0x3  }
0x37: {  	[smem:$0x3FB9] =	sst s10  }
0x38: {  	s10 =	sld [smem:$0x3FBA]  }
0x39: {  	_ = 	snop;
	(pc) =	sbr.ind lr, $3  }
0x3a: {  	_ = 	snop  }
0x3b: {  	_ = 	snop  }
0x3c: {  	p2 =	seq.s32 s10, $0x1;
	s10 =	sld [smem:$0x3FB9]  }
0x3d: {  	_ =	shalt  }
0x3e: {  	_ =	shalt  }
0x3f: {  	_ =	shalt  }
0x40: {  	_ =	shalt  }
0x41: {  	_ =	shalt  }
0x42: {  	_ =	shalt  }
0x43: {  	_ =	shalt  }
0x44: {  	_ =	shalt  }
0x45: {  	_ =	shalt  }
0x46: {  	_ =	shalt  }
0x47: {  	_ =	shalt  }
0x48: {  	_ =	shalt  }
0x49: {  	_ =	shalt  }
0x4a: {  	_ =	shalt  }
0x4b: {  	_ =	shalt  }
0x4c: {  	_ =	shalt  }
0x4d: {  	_ =	shalt  }
0x4e: {  	_ =	shalt  }
0x4f: {  	_ =	shalt  }
0x50: {  	_ =	shalt  }
0x51: {  	_ =	shalt  }
0x52: {  	_ =	shalt  }
0x53: {  	_ =	shalt  }
0x54: {  	_ =	shalt  }
0x55: {  	_ =	shalt  }
0x56: {  	_ =	shalt  }
0x57: {  	_ =	shalt  }
0x58: {  	_ =	shalt  }
0x59: {  	_ =	shalt  }
0x5a: {  	_ =	shalt  }
0x5b: {  	_ =	shalt  }
0x5c: {  	_ =	shalt  }
0x5d: {  	_ =	shalt  }
0x5e: {  	_ =	shalt  }
0x5f: {  	_ =	shalt  }
0x60: {  	_ =	shalt  }
0x61: {  	_ =	shalt  }
0x62: {  	_ =	shalt  }
0x63: {  	_ =	shalt  }
0x64: {  	_ =	shalt  }
0x65: {  	_ =	shalt  }
0x66: {  	_ =	shalt  }
0x67: {  	_ =	shalt  }
0x68: {  	_ =	shalt  }
0x69: {  	_ =	shalt  }
0x6a: {  	_ =	shalt  }
0x6b: {  	_ =	shalt  }
0x6c: {  	_ =	shalt  }
0x6d: {  	_ =	shalt  }
0x6e: {  	_ =	shalt  }
0x6f: {  	_ =	shalt  }
0x70: {  	_ =	shalt  }
0x71: {  	_ =	shalt  }
0x72: {  	_ =	shalt  }
0x73: {  	_ =	shalt  }
0x74: {  	_ =	shalt  }
0x75: {  	_ =	shalt  }
0x76: {  	_ =	shalt  }
0x77: {  	_ =	shalt  }
0x78: {  	_ =	shalt  }
0x79: {  	_ =	shalt  }
0x7a: {  	_ =	shalt  }
0x7b: {  	_ =	shalt  }
0x7c: {  	_ =	shalt  }
0x7d: {  	_ =	shalt  }
0x7e: {  	_ =	shalt  }
0x7f: {  	_ =	shalt  }
0x80: {  	_ =	shalt  }
0x81: {  	_ =	shalt  }
0x82: {  	_ =	shalt  }
0x83: {  	_ =	shalt  }
0x84: {  	_ =	shalt  }
0x85: {  	_ =	shalt  }
0x86: {  	_ =	shalt  }
0x87: {  	_ =	shalt  }
.Lfunc_end0:
.L_simem_size_0:
called_computation_lowered:
.L_overlay_start_0:
0x88: {  	s0 =	sld [smem:$0x3FD9]  }
0x89: {  	s1 =	sld [smem:$0x3FFE];
	_ =	sdelay $0x3  }
0x8a: {  	s0 =	sadd.s32 s1, s0  }
0x8b: {  	[smem:$0x3FC5] =	sst s0  }
0x8c: {  	_ = 	snop  }
0x8d: {  	s0 =	sld [smem:$0x3FC9]  }
0x8e: {  	s17 =	sld [smem:$0x3FC8]  }
0x8f: {  	s2 =	sld [smem:$0x3FC7]  }
0x90: {  	s3 =	sld [smem:$0x3FD0];
	(tm) =	ssettm $0x1  }
0x91: {  	s4 =	sld [smem:$0x3FFB];
	_ =	sdelay $0x3  }
0x92: {  	_ =	strace s4  }
0x93: {  	s4 =	sld [smem:$0x3FFC];
	_ =	sdelay $0x3  }
0x94: {  	_ =	strace s4  }
0x95: {  	s4 =	sld [smem:$0x3FFD];
	_ =	sdelay $0x3  }
0x96: {  	_ =	strace s4  }
0x97: {  	_ =	strace $0x8FFFFFFF  }
0x98: {  	s18 =	sld [smem:$0x3FDB];
	_ =	sdelay $0x1  }
0x99: {  	s5 =	simm.s32 $_scs_section_size  }
0x9a: {  	s6 =	simm.s32 $_size__tile_overlayer_lowered;
	s7 =	simm.s32 $_tile_overlayer_lowered  }
0x9b: {  	s21 =	simm.s32 $0x1BFF;
	s20 =	sshll.u32 s7, $0x1;
	s4 =	sadd.s32 s5, s18  }
0x9c: {  	s8 =	simm.s32 $0x0;
	s19 =	sshll.u32 s6, $0x1;
	s6 =	sadd.s32 s20, s4  }
0x9d: {  	[timem:s8], [sflag:s21] =	dma.local [hbm:s6], s19  }
0x9e: {  	_ =	swait.ge [sflag:s21], s19  }
0x9f: {  	s5 =	ssub.s32 $0x0, s19;
	[sflag:s21] =	ssyncset.done $0x0  }
0xa0: {  	[sflag:s21] =	ssyncadd.s32 s5;
	_ =	sdelay $0x1  }
0xa1: {  	s22 =	simm.s32 $0x1B8B  }
0xa2: {  	_ =	swait.ge [sflag:s22], $0x1  }
0xa3: {  	[sflag:s22] =	ssyncset.done $0x0  }
0xa4: {  	s23 =	simm.s32 $0x1B8E;
	[sflag:s22] =	ssyncadd.s32 $0xFFFFFFFF  }
0xa5: {  	s24 =	simm.s32 $execute0_lowered;
	[smem:$0x3FD2] =	sst s23  }
0xa6: {  	s5 =	sshll.u32 s24, $0x1;
	_ =	strace $0x80000046;
	[dreg:$0x1] =	wrdreg $0xFFFFFFFF  }
0xa7: {  	s25 =	simm.s32 $_size_execute0_lowered;
	s4 =	sadd.s32 s4, s5;
	[dreg:$0x0] =	wrdreg $0x0  }
0xa8: {  	s5 =	sshll.u32 s25, $0x1;
	[dreg:$0x2] =	wrdreg s4  }
0xa9: {  	[dreg:$0x3] =	wrdreg s5  }
0xaa: {  	[dreg:$0x4] =	wrdreg $0xC0  }
0xab: {  	_ =	task [dreg:s8], $0x5FFFF  }
0xac: {  	[dreg:$0x1] =	wrdreg $0xFFFFFFFF  }
0xad: {  	[dreg:$0x0] =	wrdreg $0x60  }
0xae: {  	[dreg:$0x2] =	wrdreg s0  }
0xaf: {  	[dreg:$0x3] =	wrdreg s17  }
0xb0: {  	[dreg:$0x4] =	wrdreg s2  }
0xb1: {  	[dreg:$0x5] =	wrdreg s3  }
0xb2: {  	[dreg:$0x6] =	wrdreg $0x9  }
0xb3: {  	_ =	task.clear_ibuf [dreg:s8], $0x7FFFF;
	_ =	strace $0x90000046  }
0xb4: {  	s26 =	simm.s32 $0x9;
	_ =	strace $0x80000048  }
0xb5: {  	_ =	swait.ge [sflag:s26], $0x1  }
0xb6: {  	[sflag:s26] =	ssyncadd.s32 $0xFFFFFFFF  }
0xb7: {  	_ =	strace $0x90000048  }
0xb8: {  	_ =	sfence  }
0xb9: {  	s28 =	sld [smem:$0x0];
	_ =	sdelay $0x1  }
0xba: {  	s29 =	srdreg.scid  }
0xbb: {  	s30 =	sshll.u32 s29, $0xD;
	s31 =	sshrl.u32 s29, $0x2  }
0xbc: {  	s1 =	sand.u32 $0x1, s29;
	s2 =	sand.u32 $0x4000, s30;
	s0 =	sadd.s32 s31, s28  }
0xbd: {  	s1 =	sor.u32 s2, s1;
	s0 =	sshll.u32 s0, $0x11  }
0xbe: {  	s0 =	sor.u32 s0, s1  }
0xbf: {  	s0 =	sadd.s32 $0x8F2B, s0  }
0xc0: {  	[sflag:s0] =	ssyncadd.remote.s32 $0x1  }
0xc1: {  	_ =	sfence.sel $0xFFFF  }
0xc2: {  	[dreg:$0x0] =	wrdreg $0xFFFFFFFF;
	(pc) =	sbr.abs _section_cstart, $3  }
0xc3: {  	[dreg:$0x1] =	wrdreg $0xFFFFFFFF  }
0xc4: {  	_ =	task.clear_ibuf [dreg:s8], $0x2FFFF;
	_ =	strace $0x9FFFFFFF  }
0xc5: {  	(tm) =	ssettm $0x7FFFFFFF  }
tec
execute0_lowered:
.L_overlay_start_1:
0x0: {  	(tag) =	ssettag $0x1  }
0x1: {  	s5 =	stileid.u32  }
0x2: {  	p0 =	sne.s32 s5, $0x0  }
.Ltmp0:
0x3: {  	s2 =	rddreg [dreg:$0x0];
	(pc) =	sbr.rel @p0 .LBB2_22-.Ltmp0, $4  }
0x4: {  	s4 =	rddreg [dreg:$0x1]  }
0x5: {  	s3 =	rddreg [dreg:$0x2]  }
0x6: {  	s1 =	rddreg [dreg:$0x3]  }
0x7: {  	s0 =	rddreg [dreg:$0x4];
	_ =	strace $0x80000047  }
0x8: {  	s5 =	simm.s32 $0x0;
	s6 =	simm.s32 $0x1000  }
0x9: {  	[tilespmem:s6], [sflag:$0x1] =	stream.linear.gather [hbm4b:s4+s5], $0x1000, $0x38;
	[tilespmem:$0x4180] =	vst v63  }
0xa: {  	_ = 	snop  }
0xb: {  	[tilespmem:s5], [sflag:$0x2] =	stream.linear.gather [hbm4b:s2+s5], $0x1000, $0x38;
	[tilespmem:$0x4180] =	vst v63  }
0xc: {  	s29 =	simm.s32 $0x2080;
	s30 =	simm.s32 $0x1  }
0xd: {  	[tilespmem:s29], [sflag:$0x3] =	stream.linear.gather [hbm4b:s3+s5], $0x1000, $0x38;
	[tilespmem:$0x4180] =	vst v63  }
0xe: {  	_ =	swait.ge [sflag:s30], $0x1000  }
0xf: {  	[sflag:s30] =	ssyncset.done $0x0  }
0x10: {  	s31 =	simm.s32 $0x0;
	[sflag:s30] =	ssyncadd.s32 $0xFFFFF000  }
0x11: {  	v0 =	vld [tilespmem:s31+$0x1000]  }
0x12: {  	v2 =	vimm.f32 $0.0e+00;
	s2 =	simm.s32 $0x80;
	v1 =	vld [tilespmem:s31+$0x1010]  }
.LBB2_2:
0x13: {  	p1 =	sne.s32 s2, $0x3F80  }
.Ltmp1:
0x14: {  	_ = 	snop;
	(pc) =	sbr.rel @p1 .LBB2_2-.Ltmp1, $4  }
0x15: {  	_ = 	snop  }
0x16: {  	s3 =	sshra.s32 s2, $0x2;
	s2 =	sadd.s32 $0x80, s2;
	v3 =	vand.u32 $0x7FFFFFFF, v0  }
0x17: {  	v0 =	vld [tilespmem:s3+$0x1000];
	v2 =	vmax.f32 v2, v3;
	v3 =	vand.u32 $0x7FFFFFFF, v1  }
0x18: {  	v1 =	vld [tilespmem:s3+$0x1010];
	v2 =	vmax.f32 v2, v3  }
0x19: {  	_ =	sdelay $0x2  }
0x1a: {  	v0 =	vand.u32 $0x7FFFFFFF, v0  }
0x1b: {  	v0 =	vmax.f32 v2, v0;
	v1 =	vand.u32 $0x7FFFFFFF, v1  }
0x1c: {  	v0 =	vmax.f32 v0, v1  }
0x1d: {  	(xrf0) =	vmin.scan.msk.f32 $0xffff, v0;
	_ =	sdelay $0x5  }
0x1e: {  	v0, _, _ =	vpop (xrf0)  }
0x1f: {  	(v2sf) =	vpush v0, $0xF;
	_ =	sdelay $0xe  }
0x20: {  	s2 =	spop (v2sf)  }
0x21: {  	v0 =	vlaneseq.u32;
	s2 =	sadd.f32 s2, s2  }
.LBB2_5:
0x22: {  	s3 =	simm.s32 $0x1010  }
0x23: {  	v2 =	vld [tilespmem:s3+$0xFFFFFFF0];
	_ =	sdelay $0x1  }
0x24: {  	p1 =	sgt.f32 s2, $1.000000000e-30;
	s2 =	smul.f32 $5.000000000e-01, s2  }
0x25: {  	_ = 	snop  }
0x26: {  	s2 =	simm.s32 @!p1 $0xBF800000  }
0x27: {  	s4 =	simm.s32 $0x0;
	v1 =	vmov s2;
	v2 =	vand.u32 $0x7FFFFFFF, v2  }
0x28: {  	v3 =	vor.u32 s4, v0;
	vm0 =	vgt.f32 v2, v1  }
0x29: {  	[tilespmem:s4+$0x3080] =	vst.msk vm0, v3;
	v2 =	vmpcnt.ones.xlane vm0  }
0x2a: {  	v3 =	vld [tilespmem:s3+$0x0]  }
0x2b: {  	(v2sf) =	vpush v2, $0x0;
	_ =	sdelay $0x3  }
0x2c: {  	v2 =	vand.u32 $0x7FFFFFFF, v3  }
0x2d: {  	vm15 =	vgt.f32 v2, v1  }
0x2e: {  	v2 =	vmpcnt.ones.xlane vm15;
	_ =	sdelay $0x1  }
0x2f: {  	(v2sf) =	vpush v2, $0x0;
	_ =	sdelay $0x6  }
0x30: {  	s30 =	simm.s32 $0x10;
	s31 =	spop (v2sf)  }
0x31: {  	v2 =	vor.u32 s30, v0;
	s6 =	sadd.s32 $0x0, s31  }
0x32: {  	s4 =	simm.s32 $0x1030;
	[tilespmem:s6+$0x3080] =	vst.msk vm15, v2  }
0x33: {  	v3 =	vld [tilespmem:s4+$0xFFFFFFF0];
	_ =	sdelay $0x3  }
0x34: {  	s3 =	simm.s32 $0x20  }
0x35: {  	s5 =	simm.s32 $0x40;
	v2 =	vor.u32 s3, v0;
	v3 =	vand.u32 $0x7FFFFFFF, v3;
	s7 =	spop (v2sf)  }
.LBB2_6:
0x36: {  	p1 =	seq.s32 s5, $0xFE0  }
0x37: {  	v4 =	vor.u32 s5, v0;
	vm0 =	vgt.f32 v3, v1;
	s6 =	sadd.s32 s6, s7;
	s7 =	smov.u32 s5;
	s5 =	sadd.s32 $0x20, s5  }
0x38: {  	[tilespmem:s6+$0x3080] =	vst.msk vm0, v2;
	v3 =	vmpcnt.ones.xlane vm0;
	v2 =	vmov v4  }
0x39: {  	v4 =	vld [tilespmem:s4+$0x0]  }
0x3a: {  	(v2sf) =	vpush v3, $0x0;
	_ =	sdelay $0x3  }
0x3b: {  	v3 =	vand.u32 $0x7FFFFFFF, v4  }
0x3c: {  	vm0 =	vgt.f32 v3, v1  }
0x3d: {  	v3 =	vmpcnt.ones.xlane vm0;
	_ =	sdelay $0x1  }
0x3e: {  	(v2sf) =	vpush v3, $0x0;
	_ =	sdelay $0x6  }
0x3f: {  	s8 =	sadd.s32 $0x10, s3;
	s3 =	smov.u32 s7;
	s9 =	spop (v2sf)  }
0x40: {  	v3 =	vor.u32 s8, v0;
	s6 =	sadd.s32 s6, s9  }
0x41: {  	s4 =	sadd.s32 $0x20, s4;
	[tilespmem:s6+$0x3080] =	vst.msk vm0, v3  }
0x42: {  	v3 =	vld [tilespmem:s4+$0xFFFFFFF0]  }
.Ltmp2:
0x43: {  	(pc) =	sbr.rel @!p1 .LBB2_6-.Ltmp2, $2  }
0x44: {  	_ =	sdelay $0x2  }
0x45: {  	v3 =	vand.u32 $0x7FFFFFFF, v3;
	s7 =	spop (v2sf)  }
0x46: {  	vm0 =	vgt.f32 v3, v1;
	s5 =	sadd.s32 s6, s7  }
0x47: {  	[tilespmem:s5+$0x3080] =	vst.msk vm0, v2  }
0x48: {  	v2 =	vld [tilespmem:s4+$0x0];
	_ =	sdelay $0x4  }
0x49: {  	v2 =	vand.u32 $0x7FFFFFFF, v2  }
0x4a: {  	v3 =	vmpcnt.ones.xlane vm0;
	vm15 =	vgt.f32 v2, v1  }
0x4b: {  	v1 =	vmpcnt.ones.xlane vm15  }
0x4c: {  	(v2sf) =	vpush v3, $0x0  }
0x4d: {  	(v2sf) =	vpush v1, $0x0;
	_ =	sdelay $0xd  }
0x4e: {  	s3 =	sadd.s32 $0x10, s3;
	s30 =	spop (v2sf)  }
0x4f: {  	v1 =	vor.u32 s3, v0;
	s4 =	sadd.s32 s5, s30;
	s31 =	spop (v2sf)  }
0x50: {  	[tilespmem:s4+$0x3080] =	vst.msk vm15, v1;
	s3 =	sadd.s32 s4, s31  }
0x51: {  	p1 =	sgt.s32 s3, $0x13  }
.Ltmp3:
0x52: {  	_ = 	snop;
	(pc) =	sbr.rel @!p1 .LBB2_5-.Ltmp3, $1  }
0x53: {  	_ =	sdelay $0x3  }
0x54: {  	s2 =	sadd.s32 $0xF, s3  }
0x55: {  	v0 =	vimm.s32 $0x1000;
	s30 =	simm.s32 $0x2;
	s31 =	simm.s32 $0x3;
	s6 =	simm.s32 $0x2080  }
0x56: {  	s7 =	simm.s32 $0x0;
	s4 =	sshra.s32 s2, $0x1F;
	[tilespmem:s3+$0x3080] =	vst v0;
	s5 =	sand.u32 $0xF, s2  }
0x57: {  	p1 =	slt.s32 s2, $0x0;
	s29 =	sshrl.u32 s4, $0x1C;
	_ =	swait.ge [sflag:s30], $0x1000  }
0x58: {  	p2 =	sne.s32 s5, $0x0;
	s4 =	simm.s32 $0x1000;
	s3 =	sadd.s32 s29, s2  }
.Ltmp4:
0x59: {  	[sflag:s30] =	ssyncset.done $0x0;
	p1 =	por !p1, !p2;
	(pc) =	sbr.rel .LBB2_9-.Ltmp4, $4  }
0x5a: {  	s2 =	simm.s32 $0x1;
	[sflag:s30] =	ssyncadd.s32 $0xFFFFF000;
	p1 =	por !p1, !p1  }
0x5b: {  	s3 =	sshra.s32 s3, $0x4;
	_ =	swait.ge [sflag:s31], $0x1000;
	s2 =	simm.s32 @!p1 $0x0  }
0x5c: {  	s5 =	simm.s32 $0x3080;
	[sflag:s31] =	ssyncset.done $0x0;
	s2 =	ssub.s32 s3, s2  }
0x5d: {  	v1 =	vimm.f32 $0.0e+00;
	v2 =	vlaneseq.u32;
	s3 =	simm.s32 $0x0;
	[sflag:s31] =	ssyncadd.s32 $0xFFFFF000;
	p1 =	slt.s32 s2, $0x1  }
.LBB2_10:
0x5e: {  	v4 =	vimm.s32 $0x80000000  }
.LBB2_20:
0x5f: {  	(xrf0) =	vmax.scan.msk.f32 $0xffff, v3;
	_ =	sdelay $0x5  }
0x60: {  	v5, _, _ =	vpop (xrf0)  }
0x61: {  	v5 =	vbroadcast v5, $0xF;
	_ =	sdelay $0x1  }
0x62: {  	vm0 =	veq.f32 v3, v5  }
0x63: {  	v3 =	vnsel vm0, $0xC0000000, v4  }
0x64: {  	(xrf0) =	vmin.scan.msk.u32 $0xffff, v3;
	_ =	sdelay $0x5  }
0x65: {  	v3, _, _ =	vpop (xrf0)  }
0x66: {  	(v2sf) =	vpush v3, $0xF;
	_ =	sdelay $0xe  }
0x67: {  	s8 =	spop (v2sf)  }
0x68: {  	s8 =	sxor.u32 $0x80000000, s8  }
0x69: {  	v3 =	vmov s8;
	_ =	sdelay $0x4  }
0x6a: {  	v62 =	vld.idx.msk [tilespmem:v3+s5+$0x0], $0xffff;
	_ =	sdelay $0x7  }
0x6b: {  	v63 =	vld.idx.msk [tilespmem:v62+s3+$0x0], $0xffff  }
0x6c: {  	v6 =	vld.idx.msk [tilespmem:v62+s4+$0x0], $0xffff;
	_ =	sdelay $0x1  }
0x6d: {  	v4 =	vld.idx.msk [tilespmem:v62+s6+$0x0], $0xffff;
	_ =	sdelay $0x2  }
0x6e: {  	v5 =	vmul.f32 v6, v63;
	_ =	sdelay $0x1  }
0x6f: {  	v7 =	vshrl.u32 v4, $0x10;
	v6 =	vshrl.u32 v5, $0x10  }
0x70: {  	s7 =	sadd.s32 $0x1, s7;
	v7 =	vand.u32 $0x1, v7;
	v6 =	vand.u32 $0x1, v6  }
0x71: {  	p2 =	sne.s32 s7, $0x14;
	v4 =	vadd.s32 v7, v4;
	v5 =	vadd.s32 v6, v5  }
.Ltmp5:
0x72: {  	v4 =	vadd.s32 $0x7FFF, v4;
	v5 =	vadd.s32 $0x7FFF, v5;
	(pc) =	sbr.rel @!p2 .LBB2_21-.Ltmp5, $3  }
0x73: {  	v4 =	vand.u32 $0xFFFF0000, v4;
	v5 =	vand.u32 $0xFFFF0000, v5  }
0x74: {  	v4 =	vmul.f32 v4, v5;
	_ =	sdelay $0x1  }
0x75: {  	[tilespmem:v3+s5+$0x0] =	vst.idx.msk $0xffff, v0;
	v1 =	vadd.f32 v4, v1  }
.LBB2_9:
.Ltmp6:
0x76: {  	(pc) =	sbr.rel @p1 .LBB2_10-.Ltmp6, $2  }
0x77: {  	_ =	sdelay $0x2  }
0x78: {  	v3 =	vimm.f32 $-3.000000000e+00;
	v4 =	vimm.s32 $0x0  }
0x79: {  	p4 =	sne.s32 s2, $0x1  }
.Ltmp7:
0x7a: {  	_ = 	snop;
	(pc) =	sbr.rel @!p4 .LBB2_12-.Ltmp7, $2  }
0x7b: {  	_ =	sdelay $0x2  }
0x7c: {  	v9 =	vld [tilespmem:s5+$0x0];
	s8 =	sadd.s32 $0xFFFFFFFF, s2;
	p2 =	por $0x0, $0x0;
	p3 =	por $0x0, $0x0  }
0x7d: {  	_ =	sdelay $0x2  }
0x7e: {  	p4 =	sne.s32 s8, $0x1  }
.Ltmp8:
0x7f: {  	_ = 	snop;
	(pc) =	sbr.rel @!p4 .LBB2_14-.Ltmp8, $4  }
0x80: {  	_ = 	snop  }
0x81: {  	s9 =	simm.s32 $0x3090  }
0x82: {  	v5 =	vld [tilespmem:s9+$0x0]  }
0x83: {  	s8 =	sadd.s32 $0xFFFFFFFF, s8;
	p2 =	por $0x1, $0x1;
	v8 =	vld.idx.msk [tilespmem:v9+s4+$0x0], $0xffff  }
0x84: {  	_ =	sdelay $0x1  }
0x85: {  	p4 =	sne.s32 s8, $0x1  }
.Ltmp9:
0x86: {  	_ = 	snop;
	(pc) =	sbr.rel @!p4 .LBB2_16-.Ltmp9, $4  }
0x87: {  	vm0 =	vgt.s32 v9, $0xFFF;
	v6 =	vand.u32 $0x7FFFFFFF, v8  }
0x88: {  	s9 =	simm.s32 $0x30A0;
	v6 =	vsel vm0, $0xC0000000, v6  }
0x89: {  	v9 =	vor.u32 s3, v2;
	v10 =	vld [tilespmem:s9+$0x0];
	vm0 =	vgt.f32 v6, v3  }
0x8a: {  	s10 =	sadd.s32 $0xFFFFFFFF, s8;
	p3 =	por $0x1, $0x1;
	s8 =	simm.s32 $0x0;
	v8 =	vld.idx.msk [tilespmem:v5+s4+$0x0], $0xffff;
	v7 =	vsel vm0, v6, v3;
	v6 =	vsel vm0, v9, v4  }
.LBB2_17:
0x8b: {  	p4 =	sne.s32 s10, $0x1;
	_ =	sdelay $0x3  }
.Ltmp10:
0x8c: {  	vm0 =	vgt.s32 v5, $0xFFF;
	v8 =	vand.u32 $0x7FFFFFFF, v8;
	v5 =	vmov v10;
	(pc) =	sbr.rel @p4 .LBB2_17-.Ltmp10, $4  }
0x8d: {  	s8 =	sadd.s32 $0x10, s8;
	v9 =	vsel vm0, $0xC0000000, v8  }
0x8e: {  	v11 =	vor.u32 s8, v2;
	vm0 =	vgt.f32 v9, v7  }
0x8f: {  	s9 =	sadd.s32 $0x10, s9;
	v7 =	vsel vm0, v9, v7;
	v6 =	vsel vm0, v11, v6;
	v8 =	vld.idx.msk [tilespmem:v10+s4+$0x0], $0xffff  }
0x90: {  	s10 =	sadd.s32 $0xFFFFFFFF, s10;
	v10 =	vld [tilespmem:s9+$0x0]  }
0x91: {  	_ =	sdelay $0x3  }
0x92: {  	v9 =	vmov v5;
	v5 =	vmov v10  }
.LBB2_19:
0x93: {  	_ =	sdelay $0x3  }
0x94: {  	v10 =	vld.idx.msk [tilespmem:v5+s4+$0x0], $0xffff;
	_ =	sdelay $0x1  }
0x95: {  	vm0 =	vgt.s32 @p2 v9, $0xFFF;
	v8 =	vand.u32 @p2 $0x7FFFFFFF, v8  }
0x96: {  	s8 =	sadd.s32 @p3 $0x10, s8;
	s9 =	simm.s32 $0x0;
	v8 =	vsel @p2 vm0, $0xC0000000, v8  }
0x97: {  	vm1 =	vgt.s32 v5, $0xFFF;
	s9 =	smov.u32 @p3 s8;
	vm0 =	vgt.f32 @p2 v8, v7  }
.Ltmp11:
0x98: {  	v9 =	vor.u32 @p2 s9, v2;
	s8 =	sadd.s32 @p2 $0x10, s9;
	s9 =	simm.s32 $0x0;
	v7 =	vsel @p2 vm0, v8, v7;
	v5 =	vand.u32 $0x7FFFFFFF, v10;
	(pc) =	sbr.rel .LBB2_20-.Ltmp11, $4  }
0x99: {  	v6 =	vsel @p2 vm0, v9, v6;
	s9 =	smov.u32 @p2 s8;
	v3 =	vpsel p2, v7, v3;
	v5 =	vsel vm1, $0xC0000000, v5  }
0x9a: {  	v4 =	vpsel p2, v6, v4;
	v6 =	vor.u32 s9, v2;
	vm15 =	vgt.f32 v5, v3  }
0x9b: {  	v4 =	vsel vm15, v6, v4  }
0x9c: {  	v3 =	vsel vm15, v5, v3;
	v4 =	vxor.u32 $0x80000000, v4  }
.LBB2_12:
.Ltmp12:
0x9d: {  	_ = 	snop;
	(pc) =	sbr.rel .LBB2_19-.Ltmp12, $2  }
0x9e: {  	_ =	sdelay $0x2  }
0x9f: {  	s8 =	simm.s32 $0x0;
	v7 =	vimm.f32 $-3.000000000e+00;
	v6 =	vimm.s32 $0x0;
	v5 =	vmov v9  }
.LBB2_14:
.Ltmp13:
0xa0: {  	(pc) =	sbr.rel .LBB2_19-.Ltmp13, $2  }
0xa1: {  	_ =	sdelay $0x2  }
0xa2: {  	s8 =	simm.s32 $0x0;
	v7 =	vimm.f32 $-3.000000000e+00;
	v6 =	vimm.s32 $0x0  }
.LBB2_16:
.Ltmp14:
0xa3: {  	(pc) =	sbr.rel .LBB2_19-.Ltmp14, $2  }
0xa4: {  	_ =	sdelay $0x2  }
0xa5: {  	v9 =	vmov v5;
	s8 =	simm.s32 $0x0;
	v5 =	vmov v10  }
.LBB2_21:
0xa6: {  	_ = 	snop  }
0xa7: {  	v0 =	vand.u32 $0x7FFFFFFF, v1  }
0xa8: {  	v0 =	vadd.f32 $9.999999930e-09, v0;
	_ =	sdelay $0x1  }
0xa9: {  	v63 =	vand.u32 $0x7FFFFF, v0  }
0xaa: {  	v1 =	vor.u32 $0x3F800000, v63  }
0xab: {  	v2 =	vadd.f32 $1.000000000e+00, v1;
	_ =	sdelay $0x1  }
0xac: {  	(erf) = vrcp.f32 v2;
	_ =	sdelay $0x7  }
0xad: {  	v1 =	vadd.f32 $-1.000000000e+00, v1  }
0xae: {  	v2 =	vpop (erf)  }
0xaf: {  	v1 =	vmul.f32 v2, v1;
	_ =	sdelay $0x1  }
0xb0: {  	v2 =	vmul.f32 v1, v1;
	_ =	sdelay $0x1  }
0xb1: {  	v3 =	vmul.f32 $9.090909360e-02, v2;
	_ =	sdelay $0x1  }
0xb2: {  	v3 =	vadd.f32 $1.111111120e-01, v3;
	_ =	sdelay $0x1  }
0xb3: {  	v3 =	vmul.f32 v3, v2;
	_ =	sdelay $0x1  }
0xb4: {  	v3 =	vadd.f32 $1.428571490e-01, v3;
	_ =	sdelay $0x1  }
0xb5: {  	v3 =	vmul.f32 v3, v2;
	_ =	sdelay $0x1  }
0xb6: {  	v3 =	vadd.f32 $2.000000030e-01, v3;
	_ =	sdelay $0x1  }
0xb7: {  	v3 =	vmul.f32 v3, v2;
	_ =	sdelay $0x1  }
0xb8: {  	v3 =	vadd.f32 $3.333333430e-01, v3;
	_ =	sdelay $0x1  }
0xb9: {  	v0 =	vshra.s32 v0, $0x17;
	v2 =	vmul.f32 v3, v2  }
0xba: {  	v0 =	vadd.s32 $0xFFFFFF81, v0  }
0xbb: {  	v0 =	vcvt.s32.f32 v0;
	v1 =	vadd.f32 v1, v1;
	v2 =	vadd.f32 $1.000000000e+00, v2;
	_ =	sdelay $0x1  }
0xbc: {  	v0 =	vmul.f32 $6.931471820e-01, v0;
	v1 =	vmul.f32 v2, v1;
	_ =	sdelay $0x1  }
0xbd: {  	v0 =	vadd.f32 v1, v0;
	_ =	sdelay $0x1  }
0xbe: {  	v0 =	vsub.f32 $0.0e+00, v0;
	_ =	sdelay $0x1  }
0xbf: {  	s2 =	simm.s32 $0x0;
	s3 =	simm.s32 $0x4100;
	s31 =	simm.s32 $0x4;
	[tilespmem:$0x4100] =	vst v0  }
0xc0: {  	[hbm4b:s1+s2] =	stream.linear.scatter [tilespmem:s3], [sflag:$0x4], $0x80, $0x38;
	[tilespmem:$0x4180] =	vst v63  }
0xc1: {  	_ =	swait.ge [sflag:s31], $0x80  }
0xc2: {  	[sflag:s31] =	ssyncset.done $0x0  }
0xc3: {  	[sflag:s31] =	ssyncadd.s32 $0xFFFFFF80  }
.LBB2_22:
0xc4: {  	_ =	sfence.sel $0x180000  }
0xc5: {  	[bflag:$0x0] =	sbarrier.arrive $0xFFFF  }
0xc6: {  	_ =	strace $0x90000047  }
0xc7: {  	s0 =	sadd.s32 @!p0 $0x100000, s0;
	[bflag:$0x2] =	sbarrier.arrive $0xFFFF  }
0xc8: {  	[sflag:s0] =	ssyncadd.tile.s32 @!p0 $0x1;
	_ =	shalt  }
.Lfunc_end2:
_tile_overlayer_lowered:
.L_overlay_start_2:
0xc9: {  	(tag) =	ssettag $0x2  }
0xca: {  	s0 =	rddreg [dreg:$0x0];
	s2 =	stileid.u32  }
0xcb: {  	s1 =	rddreg [dreg:$0x1];
	p0 =	sne.s32 s2, $0x0  }
0xcc: {  	s3 =	rddreg [dreg:$0x2];
	[bflag:$0x3] =	sbarrier.arrive $0xFFFF;
	s2 =	simm.s32 @!p0 $0x1C04  }
0xcd: {  	[timem:s3], [sflag:s2] =	dma.local @!p0 [hbm:s0], s1  }
0xce: {  	s0 =	simm.s32 @!p0 $0x4  }
0xcf: {  	_ =	swait.ge @!p0 [sflag:s0], s1  }
0xd0: {  	s1 =	ssub.s32 @!p0 $0x0, s1;
	[sflag:s0] =	ssyncset.done @!p0 $0x0  }
0xd1: {  	[sflag:s0] =	ssyncadd.s32 @!p0 s1  }
0xd2: {  	[bflag:$0x3] =	sbarrier.arrive $0xFFFF  }
0xd3: {  	_ =	shalt  }

</sc_bundles>
